<compile_context>
chip_gen: v7x
topology: tpu7x:2x2x1
jax: 0.10.2.dev20260603
libtpu: 0.0.44.dev20260713+nightly
codegen_flags: <defaults>
</compile_context>

<pallas_src>
import jax
import jax.numpy as jnp
from jax import lax
from jax.experimental import pallas as pl
from jax.experimental.pallas import tpu as pltpu
from jax.experimental.pallas import tpu_sc as plsc

_NUM_STEPS = 1000
_B, _L, _D = 64, 4096, 128
_TL = 4096
_NB = 2
_LANES = 128
_B_SPLIT = 48


def _make_tables_np():
    import numpy as np

    betas = np.linspace(np.float32(0.0001), np.float32(0.02), _NUM_STEPS,
                        dtype=np.float32)
    alphas = (np.float32(1.0) - betas).astype(np.float32)
    alphas_bar = np.cumprod(alphas, dtype=np.float32)
    sa = np.sqrt(alphas_bar, dtype=np.float32)
    sb = np.sqrt((np.float32(1.0) - alphas_bar).astype(np.float32),
                 dtype=np.float32)
    packed = np.zeros((_NUM_STEPS, _LANES), dtype=np.float32)
    packed[:, 0] = sa
    packed[:, 1] = sb
    return sa, sb, packed


def _sc_gather_body(table_hbm, t_hbm, out_hbm, idx_v, rows_v, sem):
    wid = lax.axis_index("s")

    @pl.when(wid == 0)
    def _():
        pltpu.sync_copy(t_hbm, idx_v)
        pltpu.async_copy(table_hbm.at[idx_v], rows_v, sem).wait()
        pltpu.sync_copy(rows_v, out_hbm)


def _sc_gather(table, t):
    mesh = plsc.VectorSubcoreMesh(core_axis_name="c", subcore_axis_name="s", num_cores=1)
    return pl.kernel(
        _sc_gather_body,
        mesh=mesh,
        out_type=jax.ShapeDtypeStruct((_B, _LANES), jnp.float32),
        scratch_types=[
            pltpu.VMEM((_B,), jnp.int32),
            pltpu.VMEM((_B, _LANES), jnp.float32),
            pltpu.SemaphoreType.DMA,
        ],
    )(table, t)


def _blend_lo_body(t_ref, sa_tab_ref, sb_tab_ref, x_ref, n_ref, o_ref):
    b = pl.program_id(0)
    for i in range(_NB):
        tb = t_ref[b * _NB + i]
        sa = sa_tab_ref[tb]
        sb = sb_tab_ref[tb]
        o_ref[i] = sa * x_ref[i] + sb * n_ref[i]


def _blend_hi_body(sab_ref, x_ref, n_ref, prev_ref, o_ref):
    b = pl.program_id(0)
    for i in range(_NB):
        r = _B_SPLIT + b * _NB + i
        sa = sab_ref[r, 0]
        sb = sab_ref[r, 1]
        o_ref[i] = sa * x_ref[i] + sb * n_ref[i]


def kernel(x, noise, t):
    t = t.astype(jnp.int32)
    sa_np, sb_np, packed_np = _make_tables_np()
    sa_tab = jnp.asarray(sa_np)
    sb_tab = jnp.asarray(sb_np)
    table = jnp.asarray(packed_np)
    sab = _sc_gather(table, t)

    smem = pl.BlockSpec(memory_space=pltpu.SMEM)
    big = pl.BlockSpec((_NB, _TL, _D), lambda b: (b, 0, 0))
    out_lo = pl.pallas_call(
        _blend_lo_body,
        grid=(_B_SPLIT // _NB,),
        in_specs=[smem, smem, smem, big, big],
        out_specs=big,
        out_shape=jax.ShapeDtypeStruct((_B, _L, _D), jnp.float32),
    )(t, sa_tab, sb_tab, x, noise)

    hi_blocks = _B_SPLIT // _NB
    big_hi = pl.BlockSpec((_NB, _TL, _D), lambda b: (hi_blocks + b, 0, 0))
    anyspec = pl.BlockSpec(memory_space=pltpu.MemorySpace.HBM)
    return pl.pallas_call(
        _blend_hi_body,
        grid=((_B - _B_SPLIT) // _NB,),
        in_specs=[smem, big_hi, big_hi, anyspec],
        out_specs=big_hi,
        out_shape=jax.ShapeDtypeStruct((_B, _L, _D), jnp.float32),
        input_output_aliases={3: 0},
    )(sab, x, noise, out_lo)

# --- scband reference (transcript-rebuilt; emitter-appended) ---
"""Pipeline reference for scband-noise-scheduler-50483045597230 (READ-ONLY COPY).

The authoritative reference and input builder live on the scoring server;
editing this copy changes nothing except your own understanding.
"""

import jax, jax.numpy as jnp
import numpy as np

NUM_STEPS = 1000

def _make_schedule():
    betas = jnp.linspace(0.0001, 0.02, NUM_STEPS)
    alphas = 1.0 - betas
    alphas_bar = jnp.cumprod(alphas)
    return alphas_bar

def setup_inputs(seed: int = 0) -> dict:
    key = jax.random.key(seed)
    k1, k2, k3 = jax.random.split(key, 3)
    B, L, D = 64, 4096, 128
    x = jax.random.normal(k1, (B, L, D), dtype=jnp.float32)
    noise = jax.random.normal(k2, (B, L, D), dtype=jnp.float32)
    t = jax.random.randint(k3, (B,), 0, NUM_STEPS, dtype=jnp.int64 if jax.config.jax_enable_x64 else jnp.int32)
    return {"x": x, "noise": noise, "t": t}

def reference(x, noise, t):
    # Faithful translation of NoiseScheduler.add_noise
    alphas_bar_table = _make_schedule()
    alphas_bar = jnp.take(alphas_bar_table, t)[:, None, None]  # gather: [B] -> [B,1,1]
    return jnp.sqrt(alphas_bar) * x + jnp.sqrt(1.0 - alphas_bar) * noise

if __name__ == "__main__":
    import jax
    _d = setup_inputs()
    print(jax.jit(kernel)(*tuple(_d.values())))

</pallas_src>

<mosaic_0001>
#map = affine_map<(d0, d1) -> (0, 0)>
#map1 = affine_map<(d0, d1) -> (0)>
module attributes {stable_mosaic.version = 14 : i64} {
  func.func @_sc_gather_body(%arg0: i32, %arg1: i32, %arg2: memref<1000x128xf32, #tpu.memory_space<hbm>>, %arg3: memref<64xi32, #tpu.memory_space<hbm>>, %arg4: memref<64x128xf32, #tpu.memory_space<hbm>>, %arg5: memref<64xi32, #tpu.memory_space<vmem>>, %arg6: memref<64x128xf32, #tpu.memory_space<vmem>>, %arg7: memref<!tpu.dma_semaphore, #tpu.memory_space<semaphore_mem>>) attributes {dimension_semantics = [#tpu.dimension_semantics<core_parallel>, #tpu.dimension_semantics<subcore_parallel>], iteration_bounds = array<i64: 1, 16>, scalar_prefetch = 0 : i64, scratch_operands = 3 : i64, tpu.core_type = #tpu.core_type<sc_vector_subcore>, window_params = [{transform_indices = #map}, {transform_indices = #map1}, {transform_indices = #map}]} {
    %eq3A = arith.constant 0 : i32
    %eq3A_0 = arith.cmpi eq, %arg1, %eq3A : i32
    %convert_element_type3A = arith.extui %eq3A_0 : i1 to i32
    %cond3A = arith.constant 0 : i32
    %cond3A_1 = arith.cmpi ne, %convert_element_type3A, %cond3A : i32
    scf.if %cond3A_1 {
      "tpu.region"() ({
        %run_scoped3A = tpu.sem_alloc : memref<!tpu.dma_semaphore, #tpu.memory_space<semaphore_mem>>
        tpu.enqueue_dma source(%arg3 : memref<64xi32, #tpu.memory_space<hbm>>) target(%arg5 : memref<64xi32, #tpu.memory_space<vmem>>) target_semaphore(%run_scoped3A : memref<!tpu.dma_semaphore, #tpu.memory_space<semaphore_mem>>)
        tpu.wait_dma2 semaphore(%run_scoped3A : memref<!tpu.dma_semaphore, #tpu.memory_space<semaphore_mem>>) src(%arg3 : memref<64xi32, #tpu.memory_space<hbm>>) dst(%arg5 : memref<64xi32, #tpu.memory_space<vmem>>)
        tpu.yield
      }) : () -> ()
      %dma_start3A = arith.constant 0 : i32
      %dma_start3A_2 = arith.constant 0 : i32
      %dma_start3A_3 = tpu.memref_slice %arg2[%dma_start3A, %dma_start3A_2] : memref<1000x128xf32, #tpu.memory_space<hbm>> -> memref<1000x128xf32, #tpu.memory_space<hbm>>
      tpu.enqueue_indirect_dma source(%dma_start3A_3 : memref<1000x128xf32, #tpu.memory_space<hbm>>) target(%arg6 : memref<64x128xf32, #tpu.memory_space<vmem>>) offsets(%arg5 : memref<64xi32, #tpu.memory_space<vmem>>) semaphore(%arg7 : memref<!tpu.dma_semaphore, #tpu.memory_space<semaphore_mem>>)
      %dma_wait3A = arith.constant 0 : i32
      %dma_wait3A_4 = arith.constant 0 : i32
      %dma_wait3A_5 = tpu.memref_slice %arg2[%dma_wait3A, %dma_wait3A_4] : memref<1000x128xf32, #tpu.memory_space<hbm>> -> memref<1000x128xf32, #tpu.memory_space<hbm>>
      tpu.wait_indirect_dma semaphore(%arg7 : memref<!tpu.dma_semaphore, #tpu.memory_space<semaphore_mem>>) src(%dma_wait3A_5 : memref<1000x128xf32, #tpu.memory_space<hbm>>) dst(%arg6 : memref<64x128xf32, #tpu.memory_space<vmem>>)
      "tpu.region"() ({
        %run_scoped3A = tpu.sem_alloc : memref<!tpu.dma_semaphore, #tpu.memory_space<semaphore_mem>>
        tpu.enqueue_dma source(%arg6 : memref<64x128xf32, #tpu.memory_space<vmem>>) target(%arg4 : memref<64x128xf32, #tpu.memory_space<hbm>>) target_semaphore(%run_scoped3A : memref<!tpu.dma_semaphore, #tpu.memory_space<semaphore_mem>>)
        tpu.wait_dma2 semaphore(%run_scoped3A : memref<!tpu.dma_semaphore, #tpu.memory_space<semaphore_mem>>) src(%arg6 : memref<64x128xf32, #tpu.memory_space<vmem>>) dst(%arg4 : memref<64x128xf32, #tpu.memory_space<hbm>>)
        tpu.yield
      }) : () -> ()
    } else {
    }
    return
  }
}

module attributes {stable_mosaic.version = 14 : i64} {
  func.func @_blend_lo_body(%arg0: i32, %arg1: memref<64xi32, #tpu.memory_space<smem>>, %arg2: memref<1000xf32, #tpu.memory_space<smem>>, %arg3: memref<1000xf32, #tpu.memory_space<smem>>, %arg4: memref<2x4096x128xf32, #tpu.memory_space<vmem>>, %arg5: memref<2x4096x128xf32, #tpu.memory_space<vmem>>, %arg6: memref<2x4096x128xf32, #tpu.memory_space<vmem>>) attributes {dimension_semantics = [#tpu.dimension_semantics<arbitrary>], iteration_bounds = array<i64: 24>, scalar_prefetch = 0 : i64, scratch_operands = 0 : i64, tpu.core_type = #tpu.core_type<tc>, window_params = [{transform_indices = @transform_0, window_bounds = array<i64: 64>}, {transform_indices = @transform_1, window_bounds = array<i64: 1000>}, {transform_indices = @transform_2, window_bounds = array<i64: 1000>}, {transform_indices = @transform_3, window_bounds = array<i64: 2, 4096, 128>}, {transform_indices = @transform_4, window_bounds = array<i64: 2, 4096, 128>}, {transform_indices = @transform_5, window_bounds = array<i64: 2, 4096, 128>}]} {
    %mul3A = arith.constant 2 : i32
    %mul3A_0 = arith.muli %arg0, %mul3A : i32
    %add3A = arith.constant 0 : i32
    %add3A_1 = arith.addi %mul3A_0, %add3A : i32
    %get3A = arith.index_cast %add3A_1 : i32 to index
    %get3A_2 = memref.load %arg1[%get3A] : memref<64xi32, #tpu.memory_space<smem>>
    %get3A_3 = arith.index_cast %get3A_2 : i32 to index
    %get3A_4 = memref.load %arg2[%get3A_3] : memref<1000xf32, #tpu.memory_space<smem>>
    %get3A_5 = arith.index_cast %get3A_2 : i32 to index
    %get3A_6 = memref.load %arg3[%get3A_5] : memref<1000xf32, #tpu.memory_space<smem>>
    %get3A_7 = arith.constant 0 : index
    %get3A_8 = arith.constant 0 : index
    %get3A_9 = arith.constant 0 : index
    %get3A_10 = vector.load %arg4[%get3A_7, %get3A_8, %get3A_9] : memref<2x4096x128xf32, #tpu.memory_space<vmem>>, vector<1x4096x128xf32>
    %get3A_11 = vector.shape_cast %get3A_10 : vector<1x4096x128xf32> to vector<4096x128xf32>
    %mul3A_12 = vector.broadcast %get3A_4 : f32 to vector<4096x128xf32>
    %mul3A_13 = arith.mulf %mul3A_12, %get3A_11 : vector<4096x128xf32>
    %get3A_14 = arith.constant 0 : index
    %get3A_15 = arith.constant 0 : index
    %get3A_16 = arith.constant 0 : index
    %get3A_17 = vector.load %arg5[%get3A_14, %get3A_15, %get3A_16] : memref<2x4096x128xf32, #tpu.memory_space<vmem>>, vector<1x4096x128xf32>
    %get3A_18 = vector.shape_cast %get3A_17 : vector<1x4096x128xf32> to vector<4096x128xf32>
    %mul3A_19 = vector.broadcast %get3A_6 : f32 to vector<4096x128xf32>
    %mul3A_20 = arith.mulf %mul3A_19, %get3A_18 : vector<4096x128xf32>
    %add3A_21 = arith.addf %mul3A_13, %mul3A_20 : vector<4096x128xf32>
    %swap3A = arith.constant 0 : index
    %swap3A_22 = arith.constant 0 : index
    %swap3A_23 = arith.constant 0 : index
    %swap3A_24 = vector.load %arg6[%swap3A, %swap3A_22, %swap3A_23] : memref<2x4096x128xf32, #tpu.memory_space<vmem>>, vector<1x4096x128xf32>
    %swap3A_25 = vector.shape_cast %swap3A_24 : vector<1x4096x128xf32> to vector<4096x128xf32>
    %swap3A_26 = vector.shape_cast %add3A_21 : vector<4096x128xf32> to vector<1x4096x128xf32>
    tpu.vector_store %arg6[%swap3A, %swap3A_22, %swap3A_23], %swap3A_26 {strides = array<i32>} : memref<2x4096x128xf32, #tpu.memory_space<vmem>>, vector<1x4096x128xf32>,
    %mul3A_27 = arith.constant 2 : i32
    %mul3A_28 = arith.muli %arg0, %mul3A_27 : i32
    %add3A_29 = arith.constant 1 : i32
    %add3A_30 = arith.addi %mul3A_28, %add3A_29 : i32
    %get3A_31 = arith.index_cast %add3A_30 : i32 to index
    %get3A_32 = memref.load %arg1[%get3A_31] : memref<64xi32, #tpu.memory_space<smem>>
    %get3A_33 = arith.index_cast %get3A_32 : i32 to index
    %get3A_34 = memref.load %arg2[%get3A_33] : memref<1000xf32, #tpu.memory_space<smem>>
    %get3A_35 = arith.index_cast %get3A_32 : i32 to index
    %get3A_36 = memref.load %arg3[%get3A_35] : memref<1000xf32, #tpu.memory_space<smem>>
    %get3A_37 = arith.constant 1 : index
    %get3A_38 = arith.constant 0 : index
    %get3A_39 = arith.constant 0 : index
    %get3A_40 = vector.load %arg4[%get3A_37, %get3A_38, %get3A_39] : memref<2x4096x128xf32, #tpu.memory_space<vmem>>, vector<1x4096x128xf32>
    %get3A_41 = vector.shape_cast %get3A_40 : vector<1x4096x128xf32> to vector<4096x128xf32>
    %mul3A_42 = vector.broadcast %get3A_34 : f32 to vector<4096x128xf32>
    %mul3A_43 = arith.mulf %mul3A_42, %get3A_41 : vector<4096x128xf32>
    %get3A_44 = arith.constant 1 : index
    %get3A_45 = arith.constant 0 : index
    %get3A_46 = arith.constant 0 : index
    %get3A_47 = vector.load %arg5[%get3A_44, %get3A_45, %get3A_46] : memref<2x4096x128xf32, #tpu.memory_space<vmem>>, vector<1x4096x128xf32>
    %get3A_48 = vector.shape_cast %get3A_47 : vector<1x4096x128xf32> to vector<4096x128xf32>
    %mul3A_49 = vector.broadcast %get3A_36 : f32 to vector<4096x128xf32>
    %mul3A_50 = arith.mulf %mul3A_49, %get3A_48 : vector<4096x128xf32>
    %add3A_51 = arith.addf %mul3A_43, %mul3A_50 : vector<4096x128xf32>
    %swap3A_52 = arith.constant 1 : index
    %swap3A_53 = arith.constant 0 : index
    %swap3A_54 = arith.constant 0 : index
    %swap3A_55 = vector.load %arg6[%swap3A_52, %swap3A_53, %swap3A_54] : memref<2x4096x128xf32, #tpu.memory_space<vmem>>, vector<1x4096x128xf32>
    %swap3A_56 = vector.shape_cast %swap3A_55 : vector<1x4096x128xf32> to vector<4096x128xf32>
    %swap3A_57 = vector.shape_cast %add3A_51 : vector<4096x128xf32> to vector<1x4096x128xf32>
    tpu.vector_store %arg6[%swap3A_52, %swap3A_53, %swap3A_54], %swap3A_57 {strides = array<i32>} : memref<2x4096x128xf32, #tpu.memory_space<vmem>>, vector<1x4096x128xf32>,
    return
  }
  func.func @transform_0(%arg0: i32) -> i32 {
    %c0_i32 = arith.constant 0 : i32
    %c0_i32_0 = arith.constant 0 : i32
    return %c0_i32 : i32
  }
  func.func @transform_1(%arg0: i32) -> i32 {
    %c0_i32 = arith.constant 0 : i32
    %c0_i32_0 = arith.constant 0 : i32
    return %c0_i32 : i32
  }
  func.func @transform_2(%arg0: i32) -> i32 {
    %c0_i32 = arith.constant 0 : i32
    %c0_i32_0 = arith.constant 0 : i32
    return %c0_i32 : i32
  }
  func.func @transform_3(%arg0: i32) -> (i32, i32, i32) {
    %c0_i32 = arith.constant 0 : i32
    %c0_i32_0 = arith.constant 0 : i32
    %c0_i32_1 = arith.constant 0 : i32
    return %arg0, %c0_i32, %c0_i32_0 : i32, i32, i32
  }
  func.func @transform_4(%arg0: i32) -> (i32, i32, i32) {
    %c0_i32 = arith.constant 0 : i32
    %c0_i32_0 = arith.constant 0 : i32
    %c0_i32_1 = arith.constant 0 : i32
    return %arg0, %c0_i32, %c0_i32_0 : i32, i32, i32
  }
  func.func @transform_5(%arg0: i32) -> (i32, i32, i32) {
    %c0_i32 = arith.constant 0 : i32
    %c0_i32_0 = arith.constant 0 : i32
    %c0_i32_1 = arith.constant 0 : i32
    return %arg0, %c0_i32, %c0_i32_0 : i32, i32, i32
  }
}

module attributes {stable_mosaic.version = 14 : i64} {
  func.func @_blend_hi_body(%arg0: i32, %arg1: memref<64x128xf32, #tpu.memory_space<smem>>, %arg2: memref<2x4096x128xf32, #tpu.memory_space<vmem>>, %arg3: memref<2x4096x128xf32, #tpu.memory_space<vmem>>, %arg4: memref<64x4096x128xf32, #tpu.memory_space<hbm>>, %arg5: memref<2x4096x128xf32, #tpu.memory_space<vmem>>) attributes {dimension_semantics = [#tpu.dimension_semantics<arbitrary>], iteration_bounds = array<i64: 8>, scalar_prefetch = 0 : i64, scratch_operands = 0 : i64, tpu.core_type = #tpu.core_type<tc>, window_params = [{transform_indices = @transform_0, window_bounds = array<i64: 64, 128>}, {transform_indices = @transform_1, window_bounds = array<i64: 2, 4096, 128>}, {transform_indices = @transform_2, window_bounds = array<i64: 2, 4096, 128>}, {}, {transform_indices = @transform_4, window_bounds = array<i64: 2, 4096, 128>}]} {
    %mul3A = arith.constant 2 : i32
    %mul3A_0 = arith.muli %arg0, %mul3A : i32
    %add3A = arith.constant 48 : i32
    %add3A_1 = arith.addi %add3A, %mul3A_0 : i32
    %add3A_2 = arith.constant 0 : i32
    %add3A_3 = arith.addi %add3A_1, %add3A_2 : i32
    %get3A = arith.index_cast %add3A_3 : i32 to index
    %get3A_4 = arith.constant 0 : index
    %get3A_5 = memref.load %arg1[%get3A, %get3A_4] : memref<64x128xf32, #tpu.memory_space<smem>>
    %get3A_6 = arith.index_cast %add3A_3 : i32 to index
    %get3A_7 = arith.constant 1 : index
    %get3A_8 = memref.load %arg1[%get3A_6, %get3A_7] : memref<64x128xf32, #tpu.memory_space<smem>>
    %get3A_9 = arith.constant 0 : index
    %get3A_10 = arith.constant 0 : index
    %get3A_11 = arith.constant 0 : index
    %get3A_12 = vector.load %arg2[%get3A_9, %get3A_10, %get3A_11] : memref<2x4096x128xf32, #tpu.memory_space<vmem>>, vector<1x4096x128xf32>
    %get3A_13 = vector.shape_cast %get3A_12 : vector<1x4096x128xf32> to vector<4096x128xf32>
    %mul3A_14 = vector.broadcast %get3A_5 : f32 to vector<4096x128xf32>
    %mul3A_15 = arith.mulf %mul3A_14, %get3A_13 : vector<4096x128xf32>
    %get3A_16 = arith.constant 0 : index
    %get3A_17 = arith.constant 0 : index
    %get3A_18 = arith.constant 0 : index
    %get3A_19 = vector.load %arg3[%get3A_16, %get3A_17, %get3A_18] : memref<2x4096x128xf32, #tpu.memory_space<vmem>>, vector<1x4096x128xf32>
    %get3A_20 = vector.shape_cast %get3A_19 : vector<1x4096x128xf32> to vector<4096x128xf32>
    %mul3A_21 = vector.broadcast %get3A_8 : f32 to vector<4096x128xf32>
    %mul3A_22 = arith.mulf %mul3A_21, %get3A_20 : vector<4096x128xf32>
    %add3A_23 = arith.addf %mul3A_15, %mul3A_22 : vector<4096x128xf32>
    %swap3A = arith.constant 0 : index
    %swap3A_24 = arith.constant 0 : index
    %swap3A_25 = arith.constant 0 : index
    %swap3A_26 = vector.load %arg5[%swap3A, %swap3A_24, %swap3A_25] : memref<2x4096x128xf32, #tpu.memory_space<vmem>>, vector<1x4096x128xf32>
    %swap3A_27 = vector.shape_cast %swap3A_26 : vector<1x4096x128xf32> to vector<4096x128xf32>
    %swap3A_28 = vector.shape_cast %add3A_23 : vector<4096x128xf32> to vector<1x4096x128xf32>
    tpu.vector_store %arg5[%swap3A, %swap3A_24, %swap3A_25], %swap3A_28 {strides = array<i32>} : memref<2x4096x128xf32, #tpu.memory_space<vmem>>, vector<1x4096x128xf32>,
    %mul3A_29 = arith.constant 2 : i32
    %mul3A_30 = arith.muli %arg0, %mul3A_29 : i32
    %add3A_31 = arith.constant 48 : i32
    %add3A_32 = arith.addi %add3A_31, %mul3A_30 : i32
    %add3A_33 = arith.constant 1 : i32
    %add3A_34 = arith.addi %add3A_32, %add3A_33 : i32
    %get3A_35 = arith.index_cast %add3A_34 : i32 to index
    %get3A_36 = arith.constant 0 : index
    %get3A_37 = memref.load %arg1[%get3A_35, %get3A_36] : memref<64x128xf32, #tpu.memory_space<smem>>
    %get3A_38 = arith.index_cast %add3A_34 : i32 to index
    %get3A_39 = arith.constant 1 : index
    %get3A_40 = memref.load %arg1[%get3A_38, %get3A_39] : memref<64x128xf32, #tpu.memory_space<smem>>
    %get3A_41 = arith.constant 1 : index
    %get3A_42 = arith.constant 0 : index
    %get3A_43 = arith.constant 0 : index
    %get3A_44 = vector.load %arg2[%get3A_41, %get3A_42, %get3A_43] : memref<2x4096x128xf32, #tpu.memory_space<vmem>>, vector<1x4096x128xf32>
    %get3A_45 = vector.shape_cast %get3A_44 : vector<1x4096x128xf32> to vector<4096x128xf32>
    %mul3A_46 = vector.broadcast %get3A_37 : f32 to vector<4096x128xf32>
    %mul3A_47 = arith.mulf %mul3A_46, %get3A_45 : vector<4096x128xf32>
    %get3A_48 = arith.constant 1 : index
    %get3A_49 = arith.constant 0 : index
    %get3A_50 = arith.constant 0 : index
    %get3A_51 = vector.load %arg3[%get3A_48, %get3A_49, %get3A_50] : memref<2x4096x128xf32, #tpu.memory_space<vmem>>, vector<1x4096x128xf32>
    %get3A_52 = vector.shape_cast %get3A_51 : vector<1x4096x128xf32> to vector<4096x128xf32>
    %mul3A_53 = vector.broadcast %get3A_40 : f32 to vector<4096x128xf32>
    %mul3A_54 = arith.mulf %mul3A_53, %get3A_52 : vector<4096x128xf32>
    %add3A_55 = arith.addf %mul3A_47, %mul3A_54 : vector<4096x128xf32>
    %swap3A_56 = arith.constant 1 : index
    %swap3A_57 = arith.constant 0 : index
    %swap3A_58 = arith.constant 0 : index
    %swap3A_59 = vector.load %arg5[%swap3A_56, %swap3A_57, %swap3A_58] : memref<2x4096x128xf32, #tpu.memory_space<vmem>>, vector<1x4096x128xf32>
    %swap3A_60 = vector.shape_cast %swap3A_59 : vector<1x4096x128xf32> to vector<4096x128xf32>
    %swap3A_61 = vector.shape_cast %add3A_55 : vector<4096x128xf32> to vector<1x4096x128xf32>
    tpu.vector_store %arg5[%swap3A_56, %swap3A_57, %swap3A_58], %swap3A_61 {strides = array<i32>} : memref<2x4096x128xf32, #tpu.memory_space<vmem>>, vector<1x4096x128xf32>,
    return
  }
  func.func @transform_0(%arg0: i32) -> (i32, i32) {
    %c0_i32 = arith.constant 0 : i32
    %c0_i32_0 = arith.constant 0 : i32
    %c0_i32_1 = arith.constant 0 : i32
    return %c0_i32, %c0_i32_0 : i32, i32
  }
  func.func @transform_1(%arg0: i32) -> (i32, i32, i32) {
    %add3A = arith.constant 24 : i32
    %add3A_0 = arith.addi %add3A, %arg0 : i32
    %c0_i32 = arith.constant 0 : i32
    %c0_i32_1 = arith.constant 0 : i32
    %c0_i32_2 = arith.constant 0 : i32
    return %add3A_0, %c0_i32, %c0_i32_1 : i32, i32, i32
  }
  func.func @transform_2(%arg0: i32) -> (i32, i32, i32) {
    %add3A = arith.constant 24 : i32
    %add3A_0 = arith.addi %add3A, %arg0 : i32
    %c0_i32 = arith.constant 0 : i32
    %c0_i32_1 = arith.constant 0 : i32
    %c0_i32_2 = arith.constant 0 : i32
    return %add3A_0, %c0_i32, %c0_i32_1 : i32, i32, i32
  }
  func.func @transform_4(%arg0: i32) -> (i32, i32, i32) {
    %add3A = arith.constant 24 : i32
    %add3A_0 = arith.addi %add3A, %arg0 : i32
    %c0_i32 = arith.constant 0 : i32
    %c0_i32_1 = arith.constant 0 : i32
    %c0_i32_2 = arith.constant 0 : i32
    return %add3A_0, %c0_i32, %c0_i32_1 : i32, i32, i32
  }
}

</mosaic_0001>

<sc_bundles>
// kernel: kernel.5.cloned.1.call-start
scs
__scs_entry_jumppad:
0x0: {  	(pc) =	sbr.rel $0x88, $3  }
0x1: {  	(tag) =	ssettag $0x0;
	lr =	simm.s32 $0x1  }
0x2: {  	[smem:$0x3F9E] =	sst lr;
	_ =	strace $0xD0000000  }
0x3: {  	_ = 	snop  }
0x4: {  	_ = 	snop  }
0x5: {  	_ = 	snop  }
0x6: {  	_ = 	snop  }
0x7: {  	_ = 	snop  }
__scs_overlays_trampoline_lowered:
0x8: {  	[smem:$0x3FAD] =	sst s0  }
0x9: {  	[smem:$0x3FAE] =	sst s1  }
0xa: {  	[smem:$0x3FAF] =	sst s2  }
0xb: {  	[smem:$0x3FB0] =	sst s3  }
0xc: {  	[smem:$0x3FB1] =	sst s4  }
0xd: {  	[smem:$0x3FB2] =	sst s5  }
0xe: {  	[smem:$0x3FB3] =	sst s6  }
0xf: {  	[smem:$0x3FB4] =	sst s7  }
0x10: {  	[smem:$0x3FB5] =	sst s8  }
0x11: {  	[smem:$0x3FB6] =	sst s9;
	s0 =	simm.s32 @!p0 $0x0  }
0x12: {  	s1 =	sld [smem:$0x3F9C];
	s0 =	simm.s32 @p0 $0x1  }
0x13: {  	[smem:$0x3FB7] =	sst s0;
	s0 =	simm.s32 @!p1 $0x0  }
0x14: {  	s2 =	sld [smem:$0x3F9B];
	s0 =	simm.s32 @p1 $0x1  }
0x15: {  	[smem:$0x3FB8] =	sst s0;
	s0 =	simm.s32 @!p2 $0x0  }
0x16: {  	s3 =	sld [smem:$0x3FDB];
	s0 =	simm.s32 @p2 $0x1  }
0x17: {  	s4 =	simm.s32 $0x1BF5;
	[smem:$0x3FBA] =	sst s0  }
0x18: {  	s0 =	sld [smem:$0x3F9D];
	_ =	swait.ge [sflag:s4], $0x0  }
0x19: {  	s7 =	sld [smem:$0x3F9E]  }
0x1a: {  	s8 =	sadd.s32 $0xFFFFE003, lr  }
0x1b: {  	s9 =	sadd.s32 $0xFFFFFEF7, lr;
	s5 =	simm.s32 $0xFFFFFFFF;
	p2 =	slt.u32 s8, $0xFFFFF086  }
0x1c: {  	p1 =	slt.u32 s9, $0xF7A;
	s5 =	simm.s32 @!p2 $0x0  }
0x1d: {  	s5 =	simm.s32 @p1 $0x1;
	p0 =	seq.s32 s7, s2  }
0x1e: {  	s7 =	smul.u32 @!p0 $0xF7A, s2;
	p2 =	seq.s32 @!p0 s5, $0x0  }
0x1f: {  	s9 =	smul.u32 $0xF7A, s1;
	s8 =	simm.s32 @!p0 $0x1BF5;
	p2 =	por !p2, p0  }
0x20: {  	[sflag:s8] =	ssyncset.s32 @!p0 $0xFFFFF086;
	s6 =	sadd.s32 @!p0 s3, s7;
	s7 =	simm.s32 @!p0 $0x108  }
0x21: {  	s3 =	sadd.s32 s3, s9;
	s6 =	sadd.s32 @!p0 $0x88, s6;
	s7 =	simm.s32 @p2 $0x1082  }
0x22: {  	[simem:s7], [sflag:s8] =	dma.local @!p0 [hbm:s6], $0xF7A  }
0x23: {  	s9 =	sor.u32 $0xD0000000, s2;
	s6 =	simm.s32 $0x108;
	_ =	swait.ge @!p0 [sflag:s8], $0x0  }
0x24: {  	s3 =	sadd.s32 $0x88, s3;
	s6 =	simm.s32 @!p1 $0x1082;
	[sflag:s4] =	ssyncset.s32 $0xFFFFF086  }
0x25: {  	[simem:s6], [sflag:s4] =	dma.local [hbm:s3], $0xF7A  }
0x26: {  	[smem:$0x3F9E] =	sst s1;
	(tag) =	ssettag s2;
	_ =	strace s9  }
0x27: {  	s1 =	sld [smem:$0x3FAE]  }
0x28: {  	s2 =	sld [smem:$0x3FAF]  }
0x29: {  	s4 =	sld [smem:$0x3FB1]  }
0x2a: {  	p0 =	seq.s32 s5, $0x0;
	s5 =	sld [smem:$0x3FB2]  }
0x2b: {  	s6 =	sld [smem:$0x3FB3]  }
0x2c: {  	s7 =	sld [smem:$0x3FB4]  }
0x2d: {  	s3 =	simm.s32 $0x108;
	s8 =	sld [smem:$0x3FB5]  }
0x2e: {  	s3 =	simm.s32 @!p0 $0x1082;
	s9 =	sld [smem:$0x3FB6]  }
0x2f: {  	lr =	sadd.s32 s0, s3;
	s0 =	sld [smem:$0x3FAD]  }
0x30: {  	s3 =	sld [smem:$0x3FB0]  }
0x31: {  	[smem:$0x3FB9] =	sst s10  }
0x32: {  	s10 =	sld [smem:$0x3FB7];
	_ =	sdelay $0x3  }
0x33: {  	p0 =	seq.s32 s10, $0x1;
	s10 =	sld [smem:$0x3FB9];
	_ =	sdelay $0x3  }
0x34: {  	[smem:$0x3FB9] =	sst s10  }
0x35: {  	s10 =	sld [smem:$0x3FB8];
	_ =	sdelay $0x3  }
0x36: {  	p1 =	seq.s32 s10, $0x1;
	s10 =	sld [smem:$0x3FB9];
	_ =	sdelay $0x3  }
0x37: {  	[smem:$0x3FB9] =	sst s10  }
0x38: {  	s10 =	sld [smem:$0x3FBA]  }
0x39: {  	_ = 	snop;
	(pc) =	sbr.ind lr, $3  }
0x3a: {  	_ = 	snop  }
0x3b: {  	_ = 	snop  }
0x3c: {  	p2 =	seq.s32 s10, $0x1;
	s10 =	sld [smem:$0x3FB9]  }
0x3d: {  	_ =	shalt  }
0x3e: {  	_ =	shalt  }
0x3f: {  	_ =	shalt  }
0x40: {  	_ =	shalt  }
0x41: {  	_ =	shalt  }
0x42: {  	_ =	shalt  }
0x43: {  	_ =	shalt  }
0x44: {  	_ =	shalt  }
0x45: {  	_ =	shalt  }
0x46: {  	_ =	shalt  }
0x47: {  	_ =	shalt  }
0x48: {  	_ =	shalt  }
0x49: {  	_ =	shalt  }
0x4a: {  	_ =	shalt  }
0x4b: {  	_ =	shalt  }
0x4c: {  	_ =	shalt  }
0x4d: {  	_ =	shalt  }
0x4e: {  	_ =	shalt  }
0x4f: {  	_ =	shalt  }
0x50: {  	_ =	shalt  }
0x51: {  	_ =	shalt  }
0x52: {  	_ =	shalt  }
0x53: {  	_ =	shalt  }
0x54: {  	_ =	shalt  }
0x55: {  	_ =	shalt  }
0x56: {  	_ =	shalt  }
0x57: {  	_ =	shalt  }
0x58: {  	_ =	shalt  }
0x59: {  	_ =	shalt  }
0x5a: {  	_ =	shalt  }
0x5b: {  	_ =	shalt  }
0x5c: {  	_ =	shalt  }
0x5d: {  	_ =	shalt  }
0x5e: {  	_ =	shalt  }
0x5f: {  	_ =	shalt  }
0x60: {  	_ =	shalt  }
0x61: {  	_ =	shalt  }
0x62: {  	_ =	shalt  }
0x63: {  	_ =	shalt  }
0x64: {  	_ =	shalt  }
0x65: {  	_ =	shalt  }
0x66: {  	_ =	shalt  }
0x67: {  	_ =	shalt  }
0x68: {  	_ =	shalt  }
0x69: {  	_ =	shalt  }
0x6a: {  	_ =	shalt  }
0x6b: {  	_ =	shalt  }
0x6c: {  	_ =	shalt  }
0x6d: {  	_ =	shalt  }
0x6e: {  	_ =	shalt  }
0x6f: {  	_ =	shalt  }
0x70: {  	_ =	shalt  }
0x71: {  	_ =	shalt  }
0x72: {  	_ =	shalt  }
0x73: {  	_ =	shalt  }
0x74: {  	_ =	shalt  }
0x75: {  	_ =	shalt  }
0x76: {  	_ =	shalt  }
0x77: {  	_ =	shalt  }
0x78: {  	_ =	shalt  }
0x79: {  	_ =	shalt  }
0x7a: {  	_ =	shalt  }
0x7b: {  	_ =	shalt  }
0x7c: {  	_ =	shalt  }
0x7d: {  	_ =	shalt  }
0x7e: {  	_ =	shalt  }
0x7f: {  	_ =	shalt  }
0x80: {  	_ =	shalt  }
0x81: {  	_ =	shalt  }
0x82: {  	_ =	shalt  }
0x83: {  	_ =	shalt  }
0x84: {  	_ =	shalt  }
0x85: {  	_ =	shalt  }
0x86: {  	_ =	shalt  }
0x87: {  	_ =	shalt  }
.Lfunc_end0:
.L_simem_size_0:
called_computation_lowered:
.L_overlay_start_0:
0x88: {  	s0 =	sld [smem:$0x3FD9]  }
0x89: {  	s1 =	sld [smem:$0x3FFE];
	_ =	sdelay $0x3  }
0x8a: {  	s0 =	sadd.s32 s1, s0  }
0x8b: {  	[smem:$0x3FC5] =	sst s0  }
0x8c: {  	_ = 	snop  }
0x8d: {  	s0 =	sld [smem:$0x3FC7];
	(tm) =	ssettm $0x1  }
0x8e: {  	s16 =	sld [smem:$0x3FFB];
	_ =	sdelay $0x3  }
0x8f: {  	_ =	strace s16  }
0x90: {  	s1 =	sld [smem:$0x3FFC];
	_ =	sdelay $0x3  }
0x91: {  	_ =	strace s1  }
0x92: {  	s1 =	sld [smem:$0x3FFD];
	_ =	sdelay $0x3  }
0x93: {  	_ =	strace s1  }
0x94: {  	_ =	strace $0x8FFFFFFF  }
0x95: {  	s17 =	sld [smem:$0x3FDB];
	_ =	sdelay $0x1  }
0x96: {  	s2 =	simm.s32 $_scs_section_size  }
0x97: {  	s3 =	simm.s32 $_size__tile_overlayer_lowered;
	s4 =	simm.s32 $_tile_overlayer_lowered  }
0x98: {  	s20 =	simm.s32 $0x1BFF;
	s19 =	sshll.u32 s4, $0x1;
	s1 =	sadd.s32 s2, s17  }
0x99: {  	s5 =	simm.s32 $0x0;
	s18 =	sshll.u32 s3, $0x1;
	s3 =	sadd.s32 s19, s1  }
0x9a: {  	[timem:s5], [sflag:s20] =	dma.local [hbm:s3], s18  }
0x9b: {  	_ =	swait.ge [sflag:s20], s18  }
0x9c: {  	s2 =	ssub.s32 $0x0, s18;
	[sflag:s20] =	ssyncset.done $0x0  }
0x9d: {  	[sflag:s20] =	ssyncadd.s32 s2;
	_ =	sdelay $0x1  }
0x9e: {  	s21 =	simm.s32 $0x1B8B  }
0x9f: {  	_ =	swait.ge [sflag:s21], $0x1  }
0xa0: {  	[sflag:s21] =	ssyncset.done $0x0  }
0xa1: {  	s23 =	simm.s32 $0x1B8E;
	s22 =	sld [smem:$0x3FFE];
	[sflag:s21] =	ssyncadd.s32 $0xFFFFFFFF  }
0xa2: {  	s24 =	simm.s32 $execute0_lowered;
	[smem:$0x3FD2] =	sst s23  }
0xa3: {  	s3 =	sshll.u32 s24, $0x1;
	_ =	strace $0x80000046;
	[dreg:$0x1] =	wrdreg $0xFFFFFFFF  }
0xa4: {  	s25 =	simm.s32 $_size_execute0_lowered;
	s1 =	sadd.s32 s1, s3;
	[dreg:$0x0] =	wrdreg $0x0  }
0xa5: {  	s3 =	sshll.u32 s25, $0x1;
	[dreg:$0x2] =	wrdreg s1  }
0xa6: {  	[dreg:$0x3] =	wrdreg s3  }
0xa7: {  	[dreg:$0x4] =	wrdreg $0xC0  }
0xa8: {  	_ =	task [dreg:s5], $0x5FFFF  }
0xa9: {  	[dreg:$0x1] =	wrdreg $0xFFFFFFFF  }
0xaa: {  	[dreg:$0x0] =	wrdreg $0x60  }
0xab: {  	[dreg:$0x2] =	wrdreg s22  }
0xac: {  	[dreg:$0x3] =	wrdreg s0  }
0xad: {  	[dreg:$0x4] =	wrdreg $0x9  }
0xae: {  	_ =	task.clear_ibuf [dreg:s5], $0x5FFFF;
	_ =	strace $0x90000046  }
0xaf: {  	s26 =	simm.s32 $0x9;
	_ =	strace $0x80000048  }
0xb0: {  	_ =	swait.ge [sflag:s26], $0x1  }
0xb1: {  	[sflag:s26] =	ssyncadd.s32 $0xFFFFFFFF  }
0xb2: {  	_ =	strace $0x90000048  }
0xb3: {  	_ =	sfence  }
0xb4: {  	s28 =	sld [smem:$0x0];
	_ =	sdelay $0x1  }
0xb5: {  	s29 =	srdreg.scid  }
0xb6: {  	s30 =	sshll.u32 s29, $0xD;
	s31 =	sshrl.u32 s29, $0x2  }
0xb7: {  	s2 =	sand.u32 $0x4000, s30;
	s1 =	sand.u32 $0x1, s29;
	s0 =	sadd.s32 s31, s28  }
0xb8: {  	s1 =	sor.u32 s2, s1;
	s0 =	sshll.u32 s0, $0x11  }
0xb9: {  	s0 =	sor.u32 s0, s1  }
0xba: {  	s0 =	sadd.s32 $0x8F2B, s0  }
0xbb: {  	[sflag:s0] =	ssyncadd.remote.s32 $0x1  }
0xbc: {  	_ =	sfence.sel $0xFFFF  }
0xbd: {  	[dreg:$0x0] =	wrdreg $0xFFFFFFFF;
	(pc) =	sbr.abs _section_cstart, $3  }
0xbe: {  	[dreg:$0x1] =	wrdreg $0xFFFFFFFF  }
0xbf: {  	_ =	task.clear_ibuf [dreg:s5], $0x2FFFF;
	_ =	strace $0x9FFFFFFF  }
0xc0: {  	(tm) =	ssettm $0x7FFFFFFF  }
0xc1: {  	_ =	shalt  }
tec
execute0_lowered:
.L_overlay_start_1:
0x0: {  	(tag) =	ssettag $0x1  }
0x1: {  	s0 =	rddreg [dreg:$0x0]  }
0x2: {  	s1 =	rddreg [dreg:$0x1];
	s3 =	stileid.u32  }
0x3: {  	s2 =	rddreg [dreg:$0x2];
	_ =	strace $0x80000047;
	p0 =	sne.s32 s3, $0x0  }
0x4: {  	_ =	sfence.sel @p0 $0x180000  }
0x5: {  	[bflag:$0x0] =	sbarrier.arrive @p0 $0xFFFF  }
0x6: {  	_ =	strace @p0 $0x90000047  }
0x7: {  	s3 =	simm.s32 @!p0 $0x0;
	[bflag:$0x2] =	sbarrier.arrive @p0 $0xFFFF  }
0x8: {  	[tilespmem:s3], [sflag:$0x2] =	stream.linear.gather @!p0 [hbm4b:s1+s3], $0x80, $0x38;
	[tilespmem:$0x2080] =	vst v63  }
0x9: {  	s1 =	simm.s32 @!p0 $0x2  }
0xa: {  	_ =	swait.ge @!p0 [sflag:s1], $0x80  }
0xb: {  	s4 =	sadd.s32 $0xC00, s0;
	[sflag:s1] =	ssyncset.done @!p0 $0x0  }
0xc: {  	s5 =	simm.s32 @!p0 $0x40;
	s6 =	simm.s32 @!p0 $0x80;
	[sflag:s1] =	ssyncadd.s32 @!p0 $0xFFFFFF80  }
0xd: {  	[tilespmem:s6], [sflag:$0x1] =	stream.indirect.gather @!p0 [hbm4b:s4+s5], $0x80, s3, s5, $0xb8;
	[tilespmem:$0x2080] =	vst v63  }
0xe: {  	s4 =	simm.s32 @!p0 $0x1  }
0xf: {  	_ =	swait.ge @!p0 [sflag:s4], $0x2000  }
0x10: {  	[sflag:s4] =	ssyncset.done @!p0 $0x0  }
0x11: {  	s0 =	sadd.s32 $0x4C00, s0;
	[sflag:s4] =	ssyncadd.s32 @!p0 $0xFFFFE000  }
0x12: {  	[hbm4b:s0+s3] =	stream.linear.scatter @!p0 [tilespmem:s6], [sflag:$0x2], $0x2000, $0x38;
	[tilespmem:$0x2080] =	vst v63  }
0x13: {  	_ =	swait.ge @!p0 [sflag:s1], $0x2000  }
0x14: {  	[sflag:s1] =	ssyncset.done @!p0 $0x0  }
0x15: {  	[sflag:s1] =	ssyncadd.s32 @!p0 $0xFFFFE000  }
0x16: {  	_ =	sfence.sel @!p0 $0x180000  }
0x17: {  	[bflag:$0x0] =	sbarrier.arrive @!p0 $0xFFFF  }
0x18: {  	_ =	strace @!p0 $0x90000047  }
0x19: {  	s0 =	sadd.s32 @!p0 $0x100000, s2;
	[bflag:$0x2] =	sbarrier.arrive @!p0 $0xFFFF  }
0x1a: {  	[sflag:s0] =	ssyncadd.tile.s32 @!p0 $0x1;
	_ =	shalt  }
.Lfunc_end2:
_tile_overlayer_lowered:
.L_overlay_start_2:
0x1b: {  	(tag) =	ssettag $0x2  }
0x1c: {  	s0 =	rddreg [dreg:$0x0];
	s2 =	stileid.u32  }
0x1d: {  	s1 =	rddreg [dreg:$0x1];
	p0 =	sne.s32 s2, $0x0  }
0x1e: {  	s3 =	rddreg [dreg:$0x2];
	[bflag:$0x3] =	sbarrier.arrive $0xFFFF;
	s2 =	simm.s32 @!p0 $0x1C02  }
0x1f: {  	[timem:s3], [sflag:s2] =	dma.local @!p0 [hbm:s0], s1  }
0x20: {  	s0 =	simm.s32 @!p0 $0x2  }
0x21: {  	_ =	swait.ge @!p0 [sflag:s0], s1  }
0x22: {  	s1 =	ssub.s32 @!p0 $0x0, s1;
	[sflag:s0] =	ssyncset.done @!p0 $0x0  }
0x23: {  	[sflag:s0] =	ssyncadd.s32 @!p0 s1  }
0x24: {  	[bflag:$0x3] =	sbarrier.arrive $0xFFFF  }
0x25: {  	_ =	shalt  }

</sc_bundles>
